<compile_context>
chip_gen: v7x
topology: tpu7x:2x2x1
jax: 0.10.2.dev20260603
libtpu: 0.0.44.dev20260713+nightly
codegen_flags: <defaults>
</compile_context>

<pallas_src>
import jax
import jax.numpy as jnp
from jax import lax
from jax.experimental import pallas as pl
from jax.experimental.pallas import tpu as pltpu
from jax.experimental.pallas import tpu_sc as plsc

_NUM_USERS = 1000
_D = 128
_B = 4096
_NW = 32
_BPW = _B // _NW


def _sc_gather_body(user_hbm, item_hbm, emb2_hbm, ww_hbm,
                    gu_out, gi_out, wu_out, wi_out,
                    uidx, iidx, gu_v, gi_v, wu_v, wi_v, sem):
    wid = lax.axis_index("s") * 2 + lax.axis_index("c")
    base = wid * _BPW
    pltpu.sync_copy(user_hbm.at[pl.ds(base, _BPW)], uidx)
    pltpu.sync_copy(item_hbm.at[pl.ds(base, _BPW)], iidx)
    for j in range(_BPW // 16):
        iidx[pl.ds(j * 16, 16)] = iidx[pl.ds(j * 16, 16)] + _NUM_USERS
    c0 = pltpu.async_copy(emb2_hbm.at[uidx], gu_v, sem)
    c1 = pltpu.async_copy(emb2_hbm.at[iidx], gi_v, sem)
    c2 = pltpu.async_copy(ww_hbm.at[uidx], wu_v, sem)
    c3 = pltpu.async_copy(ww_hbm.at[iidx], wi_v, sem)
    c0.wait()
    c1.wait()
    c2.wait()
    c3.wait()
    pltpu.sync_copy(gu_v, gu_out.at[pl.ds(base, _BPW)])
    pltpu.sync_copy(gi_v, gi_out.at[pl.ds(base, _BPW)])
    pltpu.sync_copy(wu_v, wu_out.at[pl.ds(base, _BPW)])
    pltpu.sync_copy(wi_v, wi_out.at[pl.ds(base, _BPW)])


def _sc_gather(user, item, emb2, W_wide):
    mesh = plsc.VectorSubcoreMesh(core_axis_name="c", subcore_axis_name="s")
    f = pl.kernel(
        _sc_gather_body, mesh=mesh,
        out_type=tuple(
            jax.ShapeDtypeStruct((_B, _D), jnp.float32) for _ in range(4)),
        scratch_types=[
            pltpu.VMEM((_BPW,), jnp.int32),
            pltpu.VMEM((_BPW,), jnp.int32),
            pltpu.VMEM((_BPW, _D), jnp.float32),
            pltpu.VMEM((_BPW, _D), jnp.float32),
            pltpu.VMEM((_BPW, _D), jnp.float32),
            pltpu.VMEM((_BPW, _D), jnp.float32),
            pltpu.SemaphoreType.DMA,
        ],
    )
    return f(user, item, emb2, W_wide)


def _mlp_body(gu, gi, g, t, wu, wi, W0, b0, W1, b1, Wf, bf, b_wide, out):
    emb = gu[...] + gi[...]
    x = (jnp.dot(emb, W0[0:128, :], preferred_element_type=jnp.float32)
         + jnp.dot(g[...], W0[128:148, :], preferred_element_type=jnp.float32)
         + jnp.dot(t[...], W0[148:248, :], preferred_element_type=jnp.float32)
         + b0[...])
    h0 = jnp.maximum(x, 0.0)
    h1 = jnp.maximum(
        jnp.dot(h0, W1[...], preferred_element_type=jnp.float32) + b1[...], 0.0)
    wide = wu[...] + wi[...] + b_wide[...]
    logits = (jnp.dot(h1, Wf[0:128, :], preferred_element_type=jnp.float32)
              + jnp.dot(wide, Wf[128:256, :], preferred_element_type=jnp.float32)
              + bf[...])
    out[...] = logits


def _mlp(gu, gi, genre, tag, wu, wi, W0, b0, W1, b1, Wf, bf, b_wide):
    nb = 4
    blk = _B // nb
    rep = lambda shape: pl.BlockSpec(shape, lambda i: (0,) * len(shape))
    row = lambda d: pl.BlockSpec((blk, d), lambda i: (i, 0))
    return pl.pallas_call(
        _mlp_body,
        grid=(nb,),
        in_specs=[
            row(_D), row(_D), row(20), row(100), row(_D), row(_D),
            rep((248, 256)), rep((256,)), rep((256, 128)), rep((128,)),
            rep((256, 1)), rep((1,)), rep((128,)),
        ],
        out_specs=row(1),
        out_shape=jax.ShapeDtypeStruct((_B, 1), jnp.float32),
    )(gu, gi, genre, tag, wu, wi, W0, b0, W1, b1, Wf, bf, b_wide)


def kernel(user, item, genre, tag, W_wide, b_wide, user_table, item_table,
           W0, b0, W1, b1, Wf, bf):
    user = user.astype(jnp.int32)
    item = item.astype(jnp.int32)
    zeros = jnp.zeros_like(user_table)
    emb2 = jnp.concatenate([
        jnp.concatenate([user_table, zeros], axis=1),
        jnp.concatenate([zeros, item_table], axis=1),
    ], axis=0)
    gu, gi, wu, wi = _sc_gather(user, item, emb2, W_wide)
    return _mlp(gu, gi, genre, tag, wu, wi, W0, b0, W1, b1, Wf, bf, b_wide)

# --- scband reference (transcript-rebuilt; emitter-appended) ---
"""Pipeline reference for scband-wide-and-deep-model-91010357002413 (READ-ONLY COPY).

The authoritative reference and input builder live on the scoring server;
editing this copy changes nothing except your own understanding.
"""

import jax, jax.numpy as jnp
import numpy as np

NUM_USERS = 1000
NUM_ITEMS = 1000
NUM_GENRES = 20
NUM_TAGS = 100
EMBEDDING_DIM = 64
HIDDEN_UNITS = [256, 128]
NUM_CLASSES = 1
BATCH = 4096


def setup_inputs(seed: int = 0) -> dict:
    key = jax.random.key(seed)
    ks = jax.random.split(key, 16)
    user = jax.random.randint(ks[0], (BATCH,), 0, NUM_USERS)
    item = jax.random.randint(ks[1], (BATCH,), 0, NUM_ITEMS)
    genre = jax.random.uniform(ks[2], (BATCH, NUM_GENRES), dtype=jnp.float32)
    tag = jax.random.uniform(ks[3], (BATCH, NUM_TAGS), dtype=jnp.float32)
    deep_in = EMBEDDING_DIM * 2 + NUM_GENRES + NUM_TAGS
    W_wide = jax.random.normal(ks[4], (NUM_USERS + NUM_ITEMS, HIDDEN_UNITS[-1]), dtype=jnp.float32) * 0.02
    b_wide = jnp.zeros((HIDDEN_UNITS[-1],), dtype=jnp.float32)
    user_table = jax.random.normal(ks[5], (NUM_USERS, EMBEDDING_DIM), dtype=jnp.float32) * 0.02
    item_table = jax.random.normal(ks[6], (NUM_ITEMS, EMBEDDING_DIM), dtype=jnp.float32) * 0.02
    W0 = jax.random.normal(ks[7], (deep_in, HIDDEN_UNITS[0]), dtype=jnp.float32) * 0.02
    b0 = jnp.zeros((HIDDEN_UNITS[0],), dtype=jnp.float32)
    W1 = jax.random.normal(ks[8], (HIDDEN_UNITS[0], HIDDEN_UNITS[1]), dtype=jnp.float32) * 0.02
    b1 = jnp.zeros((HIDDEN_UNITS[1],), dtype=jnp.float32)
    Wf = jax.random.normal(ks[9], (HIDDEN_UNITS[-1] * 2, NUM_CLASSES), dtype=jnp.float32) * 0.02
    bf = jnp.zeros((NUM_CLASSES,), dtype=jnp.float32)
    return {"user": user, "item": item, "genre": genre, "tag": tag,
            "W_wide": W_wide, "b_wide": b_wide,
            "user_table": user_table, "item_table": item_table,
            "W0": W0, "b0": b0, "W1": W1, "b1": b1, "Wf": Wf, "bf": bf}


def reference(user, item, genre, tag, W_wide, b_wide, user_table, item_table, W0, b0, W1, b1, Wf, bf):
    # wide branch: one-hot(user) || one-hot(item) -> linear
    oh_u = jax.nn.one_hot(user, NUM_USERS, dtype=jnp.float32)
    oh_i = jax.nn.one_hot(item, NUM_ITEMS, dtype=jnp.float32)
    wide_input = jnp.concatenate([oh_u, oh_i], axis=1)
    wide_output = wide_input @ W_wide + b_wide
    # deep branch: embeddings + dense side features -> MLP (dropout is identity in eval)
    user_emb = jnp.take(user_table, user, axis=0)
    item_emb = jnp.take(item_table, item, axis=0)
    deep_input = jnp.concatenate([user_emb, item_emb, genre, tag], axis=1)
    h = jax.nn.relu(deep_input @ W0 + b0)
    h = jax.nn.relu(h @ W1 + b1)
    combined = jnp.concatenate([h, wide_output], axis=1)
    logits = combined @ Wf + bf
    return logits

if __name__ == "__main__":
    import jax
    _d = setup_inputs()
    print(jax.jit(kernel)(*tuple(_d.values())))

</pallas_src>

<mosaic_0001>
#map = affine_map<(d0, d1) -> (0)>
#map1 = affine_map<(d0, d1) -> (0, 0)>
module attributes {stable_mosaic.version = 14 : i64} {
  func.func @_sc_gather_body(%arg0: i32, %arg1: i32, %arg2: memref<4096xi32, #tpu.memory_space<hbm>>, %arg3: memref<4096xi32, #tpu.memory_space<hbm>>, %arg4: memref<2000x128xf32, #tpu.memory_space<hbm>>, %arg5: memref<2000x128xf32, #tpu.memory_space<hbm>>, %arg6: memref<4096x128xf32, #tpu.memory_space<hbm>>, %arg7: memref<4096x128xf32, #tpu.memory_space<hbm>>, %arg8: memref<4096x128xf32, #tpu.memory_space<hbm>>, %arg9: memref<4096x128xf32, #tpu.memory_space<hbm>>, %arg10: memref<128xi32, #tpu.memory_space<vmem>>, %arg11: memref<128xi32, #tpu.memory_space<vmem>>, %arg12: memref<128x128xf32, #tpu.memory_space<vmem>>, %arg13: memref<128x128xf32, #tpu.memory_space<vmem>>, %arg14: memref<128x128xf32, #tpu.memory_space<vmem>>, %arg15: memref<128x128xf32, #tpu.memory_space<vmem>>, %arg16: memref<!tpu.dma_semaphore, #tpu.memory_space<semaphore_mem>>) attributes {dimension_semantics = [#tpu.dimension_semantics<core_parallel>, #tpu.dimension_semantics<subcore_parallel>], iteration_bounds = array<i64: 2, 16>, scalar_prefetch = 0 : i64, scratch_operands = 7 : i64, tpu.core_type = #tpu.core_type<sc_vector_subcore>, window_params = [{transform_indices = #map}, {transform_indices = #map}, {transform_indices = #map1}, {transform_indices = #map1}, {transform_indices = #map1}, {transform_indices = #map1}, {transform_indices = #map1}, {transform_indices = #map1}]} {
    %mul3A = arith.constant 2 : i32
    %mul3A_0 = arith.muli %arg1, %mul3A : i32
    %add3A = arith.addi %mul3A_0, %arg0 : i32
    %mul3A_1 = arith.constant 128 : i32
    %mul3A_2 = arith.muli %add3A, %mul3A_1 : i32
    "tpu.region"() ({
      %run_scoped3A = tpu.sem_alloc : memref<!tpu.dma_semaphore, #tpu.memory_space<semaphore_mem>>
      %dma_start3A_103 = tpu.memref_slice %arg2[%mul3A_2] : memref<4096xi32, #tpu.memory_space<hbm>> -> memref<128xi32, #tpu.memory_space<hbm>>
      %dma_start3A_104 = tpu.memref_slice %arg2[%mul3A_2] : memref<4096xi32, #tpu.memory_space<hbm>> -> memref<128xi32, #tpu.memory_space<hbm>>
      tpu.enqueue_dma source(%dma_start3A_104 : memref<128xi32, #tpu.memory_space<hbm>>) target(%arg10 : memref<128xi32, #tpu.memory_space<vmem>>) target_semaphore(%run_scoped3A : memref<!tpu.dma_semaphore, #tpu.memory_space<semaphore_mem>>)
      %dma_wait3A_105 = tpu.memref_slice %arg2[%mul3A_2] : memref<4096xi32, #tpu.memory_space<hbm>> -> memref<128xi32, #tpu.memory_space<hbm>>
      %dma_wait3A_106 = tpu.memref_slice %arg2[%mul3A_2] : memref<4096xi32, #tpu.memory_space<hbm>> -> memref<128xi32, #tpu.memory_space<hbm>>
      tpu.wait_dma2 semaphore(%run_scoped3A : memref<!tpu.dma_semaphore, #tpu.memory_space<semaphore_mem>>) src(%dma_wait3A_106 : memref<128xi32, #tpu.memory_space<hbm>>) dst(%arg10 : memref<128xi32, #tpu.memory_space<vmem>>)
      tpu.yield
    }) : () -> ()
    "tpu.region"() ({
      %run_scoped3A = tpu.sem_alloc : memref<!tpu.dma_semaphore, #tpu.memory_space<semaphore_mem>>
      %dma_start3A_103 = tpu.memref_slice %arg3[%mul3A_2] : memref<4096xi32, #tpu.memory_space<hbm>> -> memref<128xi32, #tpu.memory_space<hbm>>
      %dma_start3A_104 = tpu.memref_slice %arg3[%mul3A_2] : memref<4096xi32, #tpu.memory_space<hbm>> -> memref<128xi32, #tpu.memory_space<hbm>>
      tpu.enqueue_dma source(%dma_start3A_104 : memref<128xi32, #tpu.memory_space<hbm>>) target(%arg11 : memref<128xi32, #tpu.memory_space<vmem>>) target_semaphore(%run_scoped3A : memref<!tpu.dma_semaphore, #tpu.memory_space<semaphore_mem>>)
      %dma_wait3A_105 = tpu.memref_slice %arg3[%mul3A_2] : memref<4096xi32, #tpu.memory_space<hbm>> -> memref<128xi32, #tpu.memory_space<hbm>>
      %dma_wait3A_106 = tpu.memref_slice %arg3[%mul3A_2] : memref<4096xi32, #tpu.memory_space<hbm>> -> memref<128xi32, #tpu.memory_space<hbm>>
      tpu.wait_dma2 semaphore(%run_scoped3A : memref<!tpu.dma_semaphore, #tpu.memory_space<semaphore_mem>>) src(%dma_wait3A_106 : memref<128xi32, #tpu.memory_space<hbm>>) dst(%arg11 : memref<128xi32, #tpu.memory_space<vmem>>)
      tpu.yield
    }) : () -> ()
    %get3A = arith.constant 0 : index
    %get3A_3 = tpu.vector_load %arg11[%get3A] {strides = array<i32>} : memref<128xi32, #tpu.memory_space<vmem>>, vector<16xi32>,
    %get3A_4 = vector.shape_cast %get3A_3 : vector<16xi32> to vector<16xi32>
    %add3A_5 = arith.constant 1000 : i32
    %add3A_6 = vector.broadcast %add3A_5 : i32 to vector<16xi32>
    %add3A_7 = arith.addi %get3A_4, %add3A_6 : vector<16xi32>
    %swap3A = arith.constant 0 : index
    %swap3A_8 = tpu.vector_load %arg11[%swap3A] {strides = array<i32>} : memref<128xi32, #tpu.memory_space<vmem>>, vector<16xi32>,
    %swap3A_9 = vector.shape_cast %swap3A_8 : vector<16xi32> to vector<16xi32>
    %swap3A_10 = vector.shape_cast %add3A_7 : vector<16xi32> to vector<16xi32>
    tpu.vector_store %arg11[%swap3A], %swap3A_10 {strides = array<i32>} : memref<128xi32, #tpu.memory_space<vmem>>, vector<16xi32>,
    %get3A_11 = arith.constant 16 : index
    %get3A_12 = tpu.vector_load %arg11[%get3A_11] {strides = array<i32>} : memref<128xi32, #tpu.memory_space<vmem>>, vector<16xi32>,
    %get3A_13 = vector.shape_cast %get3A_12 : vector<16xi32> to vector<16xi32>
    %add3A_14 = arith.constant 1000 : i32
    %add3A_15 = vector.broadcast %add3A_14 : i32 to vector<16xi32>
    %add3A_16 = arith.addi %get3A_13, %add3A_15 : vector<16xi32>
    %swap3A_17 = arith.constant 16 : index
    %swap3A_18 = tpu.vector_load %arg11[%swap3A_17] {strides = array<i32>} : memref<128xi32, #tpu.memory_space<vmem>>, vector<16xi32>,
    %swap3A_19 = vector.shape_cast %swap3A_18 : vector<16xi32> to vector<16xi32>
    %swap3A_20 = vector.shape_cast %add3A_16 : vector<16xi32> to vector<16xi32>
    tpu.vector_store %arg11[%swap3A_17], %swap3A_20 {strides = array<i32>} : memref<128xi32, #tpu.memory_space<vmem>>, vector<16xi32>,
    %get3A_21 = arith.constant 32 : index
    %get3A_22 = tpu.vector_load %arg11[%get3A_21] {strides = array<i32>} : memref<128xi32, #tpu.memory_space<vmem>>, vector<16xi32>,
    %get3A_23 = vector.shape_cast %get3A_22 : vector<16xi32> to vector<16xi32>
    %add3A_24 = arith.constant 1000 : i32
    %add3A_25 = vector.broadcast %add3A_24 : i32 to vector<16xi32>
    %add3A_26 = arith.addi %get3A_23, %add3A_25 : vector<16xi32>
    %swap3A_27 = arith.constant 32 : index
    %swap3A_28 = tpu.vector_load %arg11[%swap3A_27] {strides = array<i32>} : memref<128xi32, #tpu.memory_space<vmem>>, vector<16xi32>,
    %swap3A_29 = vector.shape_cast %swap3A_28 : vector<16xi32> to vector<16xi32>
    %swap3A_30 = vector.shape_cast %add3A_26 : vector<16xi32> to vector<16xi32>
    tpu.vector_store %arg11[%swap3A_27], %swap3A_30 {strides = array<i32>} : memref<128xi32, #tpu.memory_space<vmem>>, vector<16xi32>,
    %get3A_31 = arith.constant 48 : index
    %get3A_32 = tpu.vector_load %arg11[%get3A_31] {strides = array<i32>} : memref<128xi32, #tpu.memory_space<vmem>>, vector<16xi32>,
    %get3A_33 = vector.shape_cast %get3A_32 : vector<16xi32> to vector<16xi32>
    %add3A_34 = arith.constant 1000 : i32
    %add3A_35 = vector.broadcast %add3A_34 : i32 to vector<16xi32>
    %add3A_36 = arith.addi %get3A_33, %add3A_35 : vector<16xi32>
    %swap3A_37 = arith.constant 48 : index
    %swap3A_38 = tpu.vector_load %arg11[%swap3A_37] {strides = array<i32>} : memref<128xi32, #tpu.memory_space<vmem>>, vector<16xi32>,
    %swap3A_39 = vector.shape_cast %swap3A_38 : vector<16xi32> to vector<16xi32>
    %swap3A_40 = vector.shape_cast %add3A_36 : vector<16xi32> to vector<16xi32>
    tpu.vector_store %arg11[%swap3A_37], %swap3A_40 {strides = array<i32>} : memref<128xi32, #tpu.memory_space<vmem>>, vector<16xi32>,
    %get3A_41 = arith.constant 64 : index
    %get3A_42 = tpu.vector_load %arg11[%get3A_41] {strides = array<i32>} : memref<128xi32, #tpu.memory_space<vmem>>, vector<16xi32>,
    %get3A_43 = vector.shape_cast %get3A_42 : vector<16xi32> to vector<16xi32>
    %add3A_44 = arith.constant 1000 : i32
    %add3A_45 = vector.broadcast %add3A_44 : i32 to vector<16xi32>
    %add3A_46 = arith.addi %get3A_43, %add3A_45 : vector<16xi32>
    %swap3A_47 = arith.constant 64 : index
    %swap3A_48 = tpu.vector_load %arg11[%swap3A_47] {strides = array<i32>} : memref<128xi32, #tpu.memory_space<vmem>>, vector<16xi32>,
    %swap3A_49 = vector.shape_cast %swap3A_48 : vector<16xi32> to vector<16xi32>
    %swap3A_50 = vector.shape_cast %add3A_46 : vector<16xi32> to vector<16xi32>
    tpu.vector_store %arg11[%swap3A_47], %swap3A_50 {strides = array<i32>} : memref<128xi32, #tpu.memory_space<vmem>>, vector<16xi32>,
    %get3A_51 = arith.constant 80 : index
    %get3A_52 = tpu.vector_load %arg11[%get3A_51] {strides = array<i32>} : memref<128xi32, #tpu.memory_space<vmem>>, vector<16xi32>,
    %get3A_53 = vector.shape_cast %get3A_52 : vector<16xi32> to vector<16xi32>
    %add3A_54 = arith.constant 1000 : i32
    %add3A_55 = vector.broadcast %add3A_54 : i32 to vector<16xi32>
    %add3A_56 = arith.addi %get3A_53, %add3A_55 : vector<16xi32>
    %swap3A_57 = arith.constant 80 : index
    %swap3A_58 = tpu.vector_load %arg11[%swap3A_57] {strides = array<i32>} : memref<128xi32, #tpu.memory_space<vmem>>, vector<16xi32>,
    %swap3A_59 = vector.shape_cast %swap3A_58 : vector<16xi32> to vector<16xi32>
    %swap3A_60 = vector.shape_cast %add3A_56 : vector<16xi32> to vector<16xi32>
    tpu.vector_store %arg11[%swap3A_57], %swap3A_60 {strides = array<i32>} : memref<128xi32, #tpu.memory_space<vmem>>, vector<16xi32>,
    %get3A_61 = arith.constant 96 : index
    %get3A_62 = tpu.vector_load %arg11[%get3A_61] {strides = array<i32>} : memref<128xi32, #tpu.memory_space<vmem>>, vector<16xi32>,
    %get3A_63 = vector.shape_cast %get3A_62 : vector<16xi32> to vector<16xi32>
    %add3A_64 = arith.constant 1000 : i32
    %add3A_65 = vector.broadcast %add3A_64 : i32 to vector<16xi32>
    %add3A_66 = arith.addi %get3A_63, %add3A_65 : vector<16xi32>
    %swap3A_67 = arith.constant 96 : index
    %swap3A_68 = tpu.vector_load %arg11[%swap3A_67] {strides = array<i32>} : memref<128xi32, #tpu.memory_space<vmem>>, vector<16xi32>,
    %swap3A_69 = vector.shape_cast %swap3A_68 : vector<16xi32> to vector<16xi32>
    %swap3A_70 = vector.shape_cast %add3A_66 : vector<16xi32> to vector<16xi32>
    tpu.vector_store %arg11[%swap3A_67], %swap3A_70 {strides = array<i32>} : memref<128xi32, #tpu.memory_space<vmem>>, vector<16xi32>,
    %get3A_71 = arith.constant 112 : index
    %get3A_72 = tpu.vector_load %arg11[%get3A_71] {strides = array<i32>} : memref<128xi32, #tpu.memory_space<vmem>>, vector<16xi32>,
    %get3A_73 = vector.shape_cast %get3A_72 : vector<16xi32> to vector<16xi32>
    %add3A_74 = arith.constant 1000 : i32
    %add3A_75 = vector.broadcast %add3A_74 : i32 to vector<16xi32>
    %add3A_76 = arith.addi %get3A_73, %add3A_75 : vector<16xi32>
    %swap3A_77 = arith.constant 112 : index
    %swap3A_78 = tpu.vector_load %arg11[%swap3A_77] {strides = array<i32>} : memref<128xi32, #tpu.memory_space<vmem>>, vector<16xi32>,
    %swap3A_79 = vector.shape_cast %swap3A_78 : vector<16xi32> to vector<16xi32>
    %swap3A_80 = vector.shape_cast %add3A_76 : vector<16xi32> to vector<16xi32>
    tpu.vector_store %arg11[%swap3A_77], %swap3A_80 {strides = array<i32>} : memref<128xi32, #tpu.memory_space<vmem>>, vector<16xi32>,
    %dma_start3A = arith.constant 0 : i32
    %dma_start3A_81 = arith.constant 0 : i32
    %dma_start3A_82 = tpu.memref_slice %arg4[%dma_start3A, %dma_start3A_81] : memref<2000x128xf32, #tpu.memory_space<hbm>> -> memref<2000x128xf32, #tpu.memory_space<hbm>>
    tpu.enqueue_indirect_dma source(%dma_start3A_82 : memref<2000x128xf32, #tpu.memory_space<hbm>>) target(%arg12 : memref<128x128xf32, #tpu.memory_space<vmem>>) offsets(%arg10 : memref<128xi32, #tpu.memory_space<vmem>>) semaphore(%arg16 : memref<!tpu.dma_semaphore, #tpu.memory_space<semaphore_mem>>)
    %dma_start3A_83 = arith.constant 0 : i32
    %dma_start3A_84 = arith.constant 0 : i32
    %dma_start3A_85 = tpu.memref_slice %arg4[%dma_start3A_83, %dma_start3A_84] : memref<2000x128xf32, #tpu.memory_space<hbm>> -> memref<2000x128xf32, #tpu.memory_space<hbm>>
    tpu.enqueue_indirect_dma source(%dma_start3A_85 : memref<2000x128xf32, #tpu.memory_space<hbm>>) target(%arg13 : memref<128x128xf32, #tpu.memory_space<vmem>>) offsets(%arg11 : memref<128xi32, #tpu.memory_space<vmem>>) semaphore(%arg16 : memref<!tpu.dma_semaphore, #tpu.memory_space<semaphore_mem>>)
    %dma_start3A_86 = arith.constant 0 : i32
    %dma_start3A_87 = arith.constant 0 : i32
    %dma_start3A_88 = tpu.memref_slice %arg5[%dma_start3A_86, %dma_start3A_87] : memref<2000x128xf32, #tpu.memory_space<hbm>> -> memref<2000x128xf32, #tpu.memory_space<hbm>>
    tpu.enqueue_indirect_dma source(%dma_start3A_88 : memref<2000x128xf32, #tpu.memory_space<hbm>>) target(%arg14 : memref<128x128xf32, #tpu.memory_space<vmem>>) offsets(%arg10 : memref<128xi32, #tpu.memory_space<vmem>>) semaphore(%arg16 : memref<!tpu.dma_semaphore, #tpu.memory_space<semaphore_mem>>)
    %dma_start3A_89 = arith.constant 0 : i32
    %dma_start3A_90 = arith.constant 0 : i32
    %dma_start3A_91 = tpu.memref_slice %arg5[%dma_start3A_89, %dma_start3A_90] : memref<2000x128xf32, #tpu.memory_space<hbm>> -> memref<2000x128xf32, #tpu.memory_space<hbm>>
    tpu.enqueue_indirect_dma source(%dma_start3A_91 : memref<2000x128xf32, #tpu.memory_space<hbm>>) target(%arg15 : memref<128x128xf32, #tpu.memory_space<vmem>>) offsets(%arg11 : memref<128xi32, #tpu.memory_space<vmem>>) semaphore(%arg16 : memref<!tpu.dma_semaphore, #tpu.memory_space<semaphore_mem>>)
    %dma_wait3A = arith.constant 0 : i32
    %dma_wait3A_92 = arith.constant 0 : i32
    %dma_wait3A_93 = tpu.memref_slice %arg4[%dma_wait3A, %dma_wait3A_92] : memref<2000x128xf32, #tpu.memory_space<hbm>> -> memref<2000x128xf32, #tpu.memory_space<hbm>>
    tpu.wait_indirect_dma semaphore(%arg16 : memref<!tpu.dma_semaphore, #tpu.memory_space<semaphore_mem>>) src(%dma_wait3A_93 : memref<2000x128xf32, #tpu.memory_space<hbm>>) dst(%arg12 : memref<128x128xf32, #tpu.memory_space<vmem>>)
    %dma_wait3A_94 = arith.constant 0 : i32
    %dma_wait3A_95 = arith.constant 0 : i32
    %dma_wait3A_96 = tpu.memref_slice %arg4[%dma_wait3A_94, %dma_wait3A_95] : memref<2000x128xf32, #tpu.memory_space<hbm>> -> memref<2000x128xf32, #tpu.memory_space<hbm>>
    tpu.wait_indirect_dma semaphore(%arg16 : memref<!tpu.dma_semaphore, #tpu.memory_space<semaphore_mem>>) src(%dma_wait3A_96 : memref<2000x128xf32, #tpu.memory_space<hbm>>) dst(%arg13 : memref<128x128xf32, #tpu.memory_space<vmem>>)
    %dma_wait3A_97 = arith.constant 0 : i32
    %dma_wait3A_98 = arith.constant 0 : i32
    %dma_wait3A_99 = tpu.memref_slice %arg5[%dma_wait3A_97, %dma_wait3A_98] : memref<2000x128xf32, #tpu.memory_space<hbm>> -> memref<2000x128xf32, #tpu.memory_space<hbm>>
    tpu.wait_indirect_dma semaphore(%arg16 : memref<!tpu.dma_semaphore, #tpu.memory_space<semaphore_mem>>) src(%dma_wait3A_99 : memref<2000x128xf32, #tpu.memory_space<hbm>>) dst(%arg14 : memref<128x128xf32, #tpu.memory_space<vmem>>)
    %dma_wait3A_100 = arith.constant 0 : i32
    %dma_wait3A_101 = arith.constant 0 : i32
    %dma_wait3A_102 = tpu.memref_slice %arg5[%dma_wait3A_100, %dma_wait3A_101] : memref<2000x128xf32, #tpu.memory_space<hbm>> -> memref<2000x128xf32, #tpu.memory_space<hbm>>
    tpu.wait_indirect_dma semaphore(%arg16 : memref<!tpu.dma_semaphore, #tpu.memory_space<semaphore_mem>>) src(%dma_wait3A_102 : memref<2000x128xf32, #tpu.memory_space<hbm>>) dst(%arg15 : memref<128x128xf32, #tpu.memory_space<vmem>>)
    "tpu.region"() ({
      %run_scoped3A = tpu.sem_alloc : memref<!tpu.dma_semaphore, #tpu.memory_space<semaphore_mem>>
      %dma_start3A_103 = arith.constant 0 : i32
      %dma_start3A_104 = tpu.memref_slice %arg6[%mul3A_2, %dma_start3A_103] : memref<4096x128xf32, #tpu.memory_space<hbm>> -> memref<128x128xf32, #tpu.memory_space<hbm>>
      %dma_start3A_105 = arith.constant 0 : i32
      %dma_start3A_106 = tpu.memref_slice %arg6[%mul3A_2, %dma_start3A_105] : memref<4096x128xf32, #tpu.memory_space<hbm>> -> memref<128x128xf32, #tpu.memory_space<hbm>>
      tpu.enqueue_dma source(%arg12 : memref<128x128xf32, #tpu.memory_space<vmem>>) target(%dma_start3A_106 : memref<128x128xf32, #tpu.memory_space<hbm>>) target_semaphore(%run_scoped3A : memref<!tpu.dma_semaphore, #tpu.memory_space<semaphore_mem>>)
      %dma_wait3A_107 = arith.constant 0 : i32
      %dma_wait3A_108 = tpu.memref_slice %arg6[%mul3A_2, %dma_wait3A_107] : memref<4096x128xf32, #tpu.memory_space<hbm>> -> memref<128x128xf32, #tpu.memory_space<hbm>>
      %dma_wait3A_109 = arith.constant 0 : i32
      %dma_wait3A_110 = tpu.memref_slice %arg6[%mul3A_2, %dma_wait3A_109] : memref<4096x128xf32, #tpu.memory_space<hbm>> -> memref<128x128xf32, #tpu.memory_space<hbm>>
      tpu.wait_dma2 semaphore(%run_scoped3A : memref<!tpu.dma_semaphore, #tpu.memory_space<semaphore_mem>>) src(%arg12 : memref<128x128xf32, #tpu.memory_space<vmem>>) dst(%dma_wait3A_110 : memref<128x128xf32, #tpu.memory_space<hbm>>)
      tpu.yield
    }) : () -> ()
    "tpu.region"() ({
      %run_scoped3A = tpu.sem_alloc : memref<!tpu.dma_semaphore, #tpu.memory_space<semaphore_mem>>
      %dma_start3A_103 = arith.constant 0 : i32
      %dma_start3A_104 = tpu.memref_slice %arg7[%mul3A_2, %dma_start3A_103] : memref<4096x128xf32, #tpu.memory_space<hbm>> -> memref<128x128xf32, #tpu.memory_space<hbm>>
      %dma_start3A_105 = arith.constant 0 : i32
      %dma_start3A_106 = tpu.memref_slice %arg7[%mul3A_2, %dma_start3A_105] : memref<4096x128xf32, #tpu.memory_space<hbm>> -> memref<128x128xf32, #tpu.memory_space<hbm>>
      tpu.enqueue_dma source(%arg13 : memref<128x128xf32, #tpu.memory_space<vmem>>) target(%dma_start3A_106 : memref<128x128xf32, #tpu.memory_space<hbm>>) target_semaphore(%run_scoped3A : memref<!tpu.dma_semaphore, #tpu.memory_space<semaphore_mem>>)
      %dma_wait3A_107 = arith.constant 0 : i32
      %dma_wait3A_108 = tpu.memref_slice %arg7[%mul3A_2, %dma_wait3A_107] : memref<4096x128xf32, #tpu.memory_space<hbm>> -> memref<128x128xf32, #tpu.memory_space<hbm>>
      %dma_wait3A_109 = arith.constant 0 : i32
      %dma_wait3A_110 = tpu.memref_slice %arg7[%mul3A_2, %dma_wait3A_109] : memref<4096x128xf32, #tpu.memory_space<hbm>> -> memref<128x128xf32, #tpu.memory_space<hbm>>
      tpu.wait_dma2 semaphore(%run_scoped3A : memref<!tpu.dma_semaphore, #tpu.memory_space<semaphore_mem>>) src(%arg13 : memref<128x128xf32, #tpu.memory_space<vmem>>) dst(%dma_wait3A_110 : memref<128x128xf32, #tpu.memory_space<hbm>>)
      tpu.yield
    }) : () -> ()
    "tpu.region"() ({
      %run_scoped3A = tpu.sem_alloc : memref<!tpu.dma_semaphore, #tpu.memory_space<semaphore_mem>>
      %dma_start3A_103 = arith.constant 0 : i32
      %dma_start3A_104 = tpu.memref_slice %arg8[%mul3A_2, %dma_start3A_103] : memref<4096x128xf32, #tpu.memory_space<hbm>> -> memref<128x128xf32, #tpu.memory_space<hbm>>
      %dma_start3A_105 = arith.constant 0 : i32
      %dma_start3A_106 = tpu.memref_slice %arg8[%mul3A_2, %dma_start3A_105] : memref<4096x128xf32, #tpu.memory_space<hbm>> -> memref<128x128xf32, #tpu.memory_space<hbm>>
      tpu.enqueue_dma source(%arg14 : memref<128x128xf32, #tpu.memory_space<vmem>>) target(%dma_start3A_106 : memref<128x128xf32, #tpu.memory_space<hbm>>) target_semaphore(%run_scoped3A : memref<!tpu.dma_semaphore, #tpu.memory_space<semaphore_mem>>)
      %dma_wait3A_107 = arith.constant 0 : i32
      %dma_wait3A_108 = tpu.memref_slice %arg8[%mul3A_2, %dma_wait3A_107] : memref<4096x128xf32, #tpu.memory_space<hbm>> -> memref<128x128xf32, #tpu.memory_space<hbm>>
      %dma_wait3A_109 = arith.constant 0 : i32
      %dma_wait3A_110 = tpu.memref_slice %arg8[%mul3A_2, %dma_wait3A_109] : memref<4096x128xf32, #tpu.memory_space<hbm>> -> memref<128x128xf32, #tpu.memory_space<hbm>>
      tpu.wait_dma2 semaphore(%run_scoped3A : memref<!tpu.dma_semaphore, #tpu.memory_space<semaphore_mem>>) src(%arg14 : memref<128x128xf32, #tpu.memory_space<vmem>>) dst(%dma_wait3A_110 : memref<128x128xf32, #tpu.memory_space<hbm>>)
      tpu.yield
    }) : () -> ()
    "tpu.region"() ({
      %run_scoped3A = tpu.sem_alloc : memref<!tpu.dma_semaphore, #tpu.memory_space<semaphore_mem>>
      %dma_start3A_103 = arith.constant 0 : i32
      %dma_start3A_104 = tpu.memref_slice %arg9[%mul3A_2, %dma_start3A_103] : memref<4096x128xf32, #tpu.memory_space<hbm>> -> memref<128x128xf32, #tpu.memory_space<hbm>>
      %dma_start3A_105 = arith.constant 0 : i32
      %dma_start3A_106 = tpu.memref_slice %arg9[%mul3A_2, %dma_start3A_105] : memref<4096x128xf32, #tpu.memory_space<hbm>> -> memref<128x128xf32, #tpu.memory_space<hbm>>
      tpu.enqueue_dma source(%arg15 : memref<128x128xf32, #tpu.memory_space<vmem>>) target(%dma_start3A_106 : memref<128x128xf32, #tpu.memory_space<hbm>>) target_semaphore(%run_scoped3A : memref<!tpu.dma_semaphore, #tpu.memory_space<semaphore_mem>>)
      %dma_wait3A_107 = arith.constant 0 : i32
      %dma_wait3A_108 = tpu.memref_slice %arg9[%mul3A_2, %dma_wait3A_107] : memref<4096x128xf32, #tpu.memory_space<hbm>> -> memref<128x128xf32, #tpu.memory_space<hbm>>
      %dma_wait3A_109 = arith.constant 0 : i32
      %dma_wait3A_110 = tpu.memref_slice %arg9[%mul3A_2, %dma_wait3A_109] : memref<4096x128xf32, #tpu.memory_space<hbm>> -> memref<128x128xf32, #tpu.memory_space<hbm>>
      tpu.wait_dma2 semaphore(%run_scoped3A : memref<!tpu.dma_semaphore, #tpu.memory_space<semaphore_mem>>) src(%arg15 : memref<128x128xf32, #tpu.memory_space<vmem>>) dst(%dma_wait3A_110 : memref<128x128xf32, #tpu.memory_space<hbm>>)
      tpu.yield
    }) : () -> ()
    return
  }
}

module attributes {stable_mosaic.version = 14 : i64} {
  func.func @_mlp_body(%arg0: i32, %arg1: memref<1024x128xf32, #tpu.memory_space<vmem>>, %arg2: memref<1024x128xf32, #tpu.memory_space<vmem>>, %arg3: memref<1024x20xf32, #tpu.memory_space<vmem>>, %arg4: memref<1024x100xf32, #tpu.memory_space<vmem>>, %arg5: memref<1024x128xf32, #tpu.memory_space<vmem>>, %arg6: memref<1024x128xf32, #tpu.memory_space<vmem>>, %arg7: memref<248x256xf32, #tpu.memory_space<vmem>>, %arg8: memref<256xf32, #tpu.memory_space<vmem>>, %arg9: memref<256x128xf32, #tpu.memory_space<vmem>>, %arg10: memref<128xf32, #tpu.memory_space<vmem>>, %arg11: memref<256x1xf32, #tpu.memory_space<vmem>>, %arg12: memref<1xf32, #tpu.memory_space<vmem>>, %arg13: memref<128xf32, #tpu.memory_space<vmem>>, %arg14: memref<1024x1xf32, #tpu.memory_space<vmem>>) attributes {dimension_semantics = [#tpu.dimension_semantics<arbitrary>], iteration_bounds = array<i64: 4>, scalar_prefetch = 0 : i64, scratch_operands = 0 : i64, tpu.core_type = #tpu.core_type<tc>, window_params = [{transform_indices = @transform_0, window_bounds = array<i64: 1024, 128>}, {transform_indices = @transform_1, window_bounds = array<i64: 1024, 128>}, {transform_indices = @transform_2, window_bounds = array<i64: 1024, 20>}, {transform_indices = @transform_3, window_bounds = array<i64: 1024, 100>}, {transform_indices = @transform_4, window_bounds = array<i64: 1024, 128>}, {transform_indices = @transform_5, window_bounds = array<i64: 1024, 128>}, {pipeline_mode = #tpu.pipeline_mode<synchronous>, transform_indices = @transform_6, window_bounds = array<i64: 248, 256>}, {pipeline_mode = #tpu.pipeline_mode<synchronous>, transform_indices = @transform_7, window_bounds = array<i64: 256>}, {pipeline_mode = #tpu.pipeline_mode<synchronous>, transform_indices = @transform_8, window_bounds = array<i64: 256, 128>}, {pipeline_mode = #tpu.pipeline_mode<synchronous>, transform_indices = @transform_9, window_bounds = array<i64: 128>}, {pipeline_mode = #tpu.pipeline_mode<synchronous>, transform_indices = @transform_10, window_bounds = array<i64: 256, 1>}, {pipeline_mode = #tpu.pipeline_mode<synchronous>, transform_indices = @transform_11, window_bounds = array<i64: 1>}, {pipeline_mode = #tpu.pipeline_mode<synchronous>, transform_indices = @transform_12, window_bounds = array<i64: 128>}, {transform_indices = @transform_13, window_bounds = array<i64: 1024, 1>}]} {
    %get3A = arith.constant 0 : index
    %get3A_0 = arith.constant 0 : index
    %get3A_1 = vector.load %arg1[%get3A, %get3A_0] : memref<1024x128xf32, #tpu.memory_space<vmem>>, vector<1024x128xf32>
    %get3A_2 = arith.constant 0 : index
    %get3A_3 = arith.constant 0 : index
    %get3A_4 = vector.load %arg2[%get3A_2, %get3A_3] : memref<1024x128xf32, #tpu.memory_space<vmem>>, vector<1024x128xf32>
    %add3A = arith.addf %get3A_1, %get3A_4 : vector<1024x128xf32>
    %get3A_5 = arith.constant 0 : index
    %get3A_6 = arith.constant 0 : index
    %get3A_7 = vector.load %arg7[%get3A_5, %get3A_6] : memref<248x256xf32, #tpu.memory_space<vmem>>, vector<128x256xf32>
    %dot_general3A = arith.constant dense<0.000000e+00> : vector<1024x256xf32>
    %dot_general3A_8 = tpu.matmul %add3A, %get3A_7, %dot_general3A {dimension_numbers = #tpu.dot_dimension_numbers<[1], [0], [0], [1], [0, 0, 1, 1], [], []>, transpose_lhs_hint = false} : vector<1024x128xf32>, vector<128x256xf32>, vector<1024x256xf32> -> vector<1024x256xf32>
    %get3A_9 = arith.constant 0 : index
    %get3A_10 = arith.constant 0 : index
    %get3A_11 = vector.load %arg3[%get3A_9, %get3A_10] : memref<1024x20xf32, #tpu.memory_space<vmem>>, vector<1024x20xf32>
    %get3A_12 = arith.constant 128 : index
    %get3A_13 = arith.constant 0 : index
    %get3A_14 = vector.load %arg7[%get3A_12, %get3A_13] : memref<248x256xf32, #tpu.memory_space<vmem>>, vector<20x256xf32>
    %dot_general3A_15 = arith.constant dense<0.000000e+00> : vector<1024x256xf32>
    %dot_general3A_16 = tpu.matmul %get3A_11, %get3A_14, %dot_general3A_15 {dimension_numbers = #tpu.dot_dimension_numbers<[1], [0], [0], [1], [0, 0, 1, 1], [], []>, transpose_lhs_hint = false} : vector<1024x20xf32>, vector<20x256xf32>, vector<1024x256xf32> -> vector<1024x256xf32>
    %add3A_17 = arith.addf %dot_general3A_8, %dot_general3A_16 : vector<1024x256xf32>
    %get3A_18 = arith.constant 0 : index
    %get3A_19 = arith.constant 0 : index
    %get3A_20 = vector.load %arg4[%get3A_18, %get3A_19] : memref<1024x100xf32, #tpu.memory_space<vmem>>, vector<1024x100xf32>
    %get3A_21 = arith.constant 148 : index
    %get3A_22 = arith.constant 0 : index
    %get3A_23 = vector.load %arg7[%get3A_21, %get3A_22] : memref<248x256xf32, #tpu.memory_space<vmem>>, vector<100x256xf32>
    %dot_general3A_24 = arith.constant dense<0.000000e+00> : vector<1024x256xf32>
    %dot_general3A_25 = tpu.matmul %get3A_20, %get3A_23, %dot_general3A_24 {dimension_numbers = #tpu.dot_dimension_numbers<[1], [0], [0], [1], [0, 0, 1, 1], [], []>, transpose_lhs_hint = false} : vector<1024x100xf32>, vector<100x256xf32>, vector<1024x256xf32> -> vector<1024x256xf32>
    %add3A_26 = arith.addf %add3A_17, %dot_general3A_25 : vector<1024x256xf32>
    %get3A_27 = arith.constant 0 : index
    %get3A_28 = vector.load %arg8[%get3A_27] : memref<256xf32, #tpu.memory_space<vmem>>, vector<256xf32>
    %broadcast_in_dim3A = vector.shape_cast %get3A_28 : vector<256xf32> to vector<1x256xf32>
    %add3A_29 = vector.broadcast %broadcast_in_dim3A : vector<1x256xf32> to vector<1024x256xf32>
    %add3A_30 = arith.addf %add3A_26, %add3A_29 : vector<1024x256xf32>
    %max3A = arith.constant 0.000000e+00 : f32
    %max3A_31 = vector.broadcast %max3A : f32 to vector<1024x256xf32>
    %max3A_32 = arith.maximumf %add3A_30, %max3A_31 : vector<1024x256xf32>
    %get3A_33 = arith.constant 0 : index
    %get3A_34 = arith.constant 0 : index
    %get3A_35 = vector.load %arg9[%get3A_33, %get3A_34] : memref<256x128xf32, #tpu.memory_space<vmem>>, vector<256x128xf32>
    %dot_general3A_36 = arith.constant dense<0.000000e+00> : vector<1024x128xf32>
    %dot_general3A_37 = tpu.matmul %max3A_32, %get3A_35, %dot_general3A_36 {dimension_numbers = #tpu.dot_dimension_numbers<[1], [0], [0], [1], [0, 0, 1, 1], [], []>, transpose_lhs_hint = false} : vector<1024x256xf32>, vector<256x128xf32>, vector<1024x128xf32> -> vector<1024x128xf32>
    %get3A_38 = arith.constant 0 : index
    %get3A_39 = vector.load %arg10[%get3A_38] : memref<128xf32, #tpu.memory_space<vmem>>, vector<128xf32>
    %broadcast_in_dim3A_40 = vector.shape_cast %get3A_39 : vector<128xf32> to vector<1x128xf32>
    %add3A_41 = vector.broadcast %broadcast_in_dim3A_40 : vector<1x128xf32> to vector<1024x128xf32>
    %add3A_42 = arith.addf %dot_general3A_37, %add3A_41 : vector<1024x128xf32>
    %max3A_43 = arith.constant 0.000000e+00 : f32
    %max3A_44 = vector.broadcast %max3A_43 : f32 to vector<1024x128xf32>
    %max3A_45 = arith.maximumf %add3A_42, %max3A_44 : vector<1024x128xf32>
    %get3A_46 = arith.constant 0 : index
    %get3A_47 = arith.constant 0 : index
    %get3A_48 = vector.load %arg5[%get3A_46, %get3A_47] : memref<1024x128xf32, #tpu.memory_space<vmem>>, vector<1024x128xf32>
    %get3A_49 = arith.constant 0 : index
    %get3A_50 = arith.constant 0 : index
    %get3A_51 = vector.load %arg6[%get3A_49, %get3A_50] : memref<1024x128xf32, #tpu.memory_space<vmem>>, vector<1024x128xf32>
    %add3A_52 = arith.addf %get3A_48, %get3A_51 : vector<1024x128xf32>
    %get3A_53 = arith.constant 0 : index
    %get3A_54 = vector.load %arg13[%get3A_53] : memref<128xf32, #tpu.memory_space<vmem>>, vector<128xf32>
    %broadcast_in_dim3A_55 = vector.shape_cast %get3A_54 : vector<128xf32> to vector<1x128xf32>
    %add3A_56 = vector.broadcast %broadcast_in_dim3A_55 : vector<1x128xf32> to vector<1024x128xf32>
    %add3A_57 = arith.addf %add3A_52, %add3A_56 : vector<1024x128xf32>
    %get3A_58 = arith.constant 0 : index
    %get3A_59 = arith.constant 0 : index
    %get3A_60 = vector.load %arg11[%get3A_58, %get3A_59] : memref<256x1xf32, #tpu.memory_space<vmem>>, vector<128x1xf32>
    %dot_general3A_61 = arith.constant dense<0.000000e+00> : vector<1024x1xf32>
    %dot_general3A_62 = tpu.matmul %max3A_45, %get3A_60, %dot_general3A_61 {dimension_numbers = #tpu.dot_dimension_numbers<[1], [0], [0], [1], [0, 0, 1, 1], [], []>, transpose_lhs_hint = false} : vector<1024x128xf32>, vector<128x1xf32>, vector<1024x1xf32> -> vector<1024x1xf32>
    %get3A_63 = arith.constant 128 : index
    %get3A_64 = arith.constant 0 : index
    %get3A_65 = vector.load %arg11[%get3A_63, %get3A_64] : memref<256x1xf32, #tpu.memory_space<vmem>>, vector<128x1xf32>
    %dot_general3A_66 = arith.constant dense<0.000000e+00> : vector<1024x1xf32>
    %dot_general3A_67 = tpu.matmul %add3A_57, %get3A_65, %dot_general3A_66 {dimension_numbers = #tpu.dot_dimension_numbers<[1], [0], [0], [1], [0, 0, 1, 1], [], []>, transpose_lhs_hint = false} : vector<1024x128xf32>, vector<128x1xf32>, vector<1024x1xf32> -> vector<1024x1xf32>
    %add3A_68 = arith.addf %dot_general3A_62, %dot_general3A_67 : vector<1024x1xf32>
    %get3A_69 = arith.constant 0 : index
    %get3A_70 = vector.load %arg12[%get3A_69] : memref<1xf32, #tpu.memory_space<vmem>>, vector<1xf32>
    %broadcast_in_dim3A_71 = vector.shape_cast %get3A_70 : vector<1xf32> to vector<1x1xf32>
    %add3A_72 = vector.broadcast %broadcast_in_dim3A_71 : vector<1x1xf32> to vector<1024x1xf32>
    %add3A_73 = arith.addf %add3A_68, %add3A_72 : vector<1024x1xf32>
    %swap3A = arith.constant 0 : index
    %swap3A_74 = arith.constant 0 : index
    %swap3A_75 = vector.load %arg14[%swap3A, %swap3A_74] : memref<1024x1xf32, #tpu.memory_space<vmem>>, vector<1024x1xf32>
    tpu.vector_store %arg14[%swap3A, %swap3A_74], %add3A_73 {strides = array<i32>} : memref<1024x1xf32, #tpu.memory_space<vmem>>, vector<1024x1xf32>,
    return
  }
  func.func @transform_0(%arg0: i32) -> (i32, i32) {
    %c0_i32 = arith.constant 0 : i32
    %c0_i32_0 = arith.constant 0 : i32
    return %arg0, %c0_i32 : i32, i32
  }
  func.func @transform_1(%arg0: i32) -> (i32, i32) {
    %c0_i32 = arith.constant 0 : i32
    %c0_i32_0 = arith.constant 0 : i32
    return %arg0, %c0_i32 : i32, i32
  }
  func.func @transform_2(%arg0: i32) -> (i32, i32) {
    %c0_i32 = arith.constant 0 : i32
    %c0_i32_0 = arith.constant 0 : i32
    return %arg0, %c0_i32 : i32, i32
  }
  func.func @transform_3(%arg0: i32) -> (i32, i32) {
    %c0_i32 = arith.constant 0 : i32
    %c0_i32_0 = arith.constant 0 : i32
    return %arg0, %c0_i32 : i32, i32
  }
  func.func @transform_4(%arg0: i32) -> (i32, i32) {
    %c0_i32 = arith.constant 0 : i32
    %c0_i32_0 = arith.constant 0 : i32
    return %arg0, %c0_i32 : i32, i32
  }
  func.func @transform_5(%arg0: i32) -> (i32, i32) {
    %c0_i32 = arith.constant 0 : i32
    %c0_i32_0 = arith.constant 0 : i32
    return %arg0, %c0_i32 : i32, i32
  }
  func.func @transform_6(%arg0: i32) -> (i32, i32) {
    %c0_i32 = arith.constant 0 : i32
    %c0_i32_0 = arith.constant 0 : i32
    %c0_i32_1 = arith.constant 0 : i32
    return %c0_i32, %c0_i32_0 : i32, i32
  }
  func.func @transform_7(%arg0: i32) -> i32 {
    %c0_i32 = arith.constant 0 : i32
    %c0_i32_0 = arith.constant 0 : i32
    return %c0_i32 : i32
  }
  func.func @transform_8(%arg0: i32) -> (i32, i32) {
    %c0_i32 = arith.constant 0 : i32
    %c0_i32_0 = arith.constant 0 : i32
    %c0_i32_1 = arith.constant 0 : i32
    return %c0_i32, %c0_i32_0 : i32, i32
  }
  func.func @transform_9(%arg0: i32) -> i32 {
    %c0_i32 = arith.constant 0 : i32
    %c0_i32_0 = arith.constant 0 : i32
    return %c0_i32 : i32
  }
  func.func @transform_10(%arg0: i32) -> (i32, i32) {
    %c0_i32 = arith.constant 0 : i32
    %c0_i32_0 = arith.constant 0 : i32
    %c0_i32_1 = arith.constant 0 : i32
    return %c0_i32, %c0_i32_0 : i32, i32
  }
  func.func @transform_11(%arg0: i32) -> i32 {
    %c0_i32 = arith.constant 0 : i32
    %c0_i32_0 = arith.constant 0 : i32
    return %c0_i32 : i32
  }
  func.func @transform_12(%arg0: i32) -> i32 {
    %c0_i32 = arith.constant 0 : i32
    %c0_i32_0 = arith.constant 0 : i32
    return %c0_i32 : i32
  }
  func.func @transform_13(%arg0: i32) -> (i32, i32) {
    %c0_i32 = arith.constant 0 : i32
    %c0_i32_0 = arith.constant 0 : i32
    return %arg0, %c0_i32 : i32, i32
  }
}

</mosaic_0001>

<sc_bundles>
// kernel: kernel.4.cloned.1.call-start
scs
__scs_entry_jumppad:
0x0: {  	(pc) =	sbr.rel $0x88, $3  }
0x1: {  	(tag) =	ssettag $0x0;
	lr =	simm.s32 $0x1  }
0x2: {  	[smem:$0x3F93] =	sst lr;
	_ =	strace $0xD0000000  }
0x3: {  	_ = 	snop  }
0x4: {  	_ = 	snop  }
0x5: {  	_ = 	snop  }
0x6: {  	_ = 	snop  }
0x7: {  	_ = 	snop  }
__scs_overlays_trampoline_lowered:
0x8: {  	[smem:$0x3FA2] =	sst s0  }
0x9: {  	[smem:$0x3FA3] =	sst s1  }
0xa: {  	[smem:$0x3FA4] =	sst s2  }
0xb: {  	[smem:$0x3FA5] =	sst s3  }
0xc: {  	[smem:$0x3FA6] =	sst s4  }
0xd: {  	[smem:$0x3FA7] =	sst s5  }
0xe: {  	[smem:$0x3FA8] =	sst s6  }
0xf: {  	[smem:$0x3FA9] =	sst s7  }
0x10: {  	[smem:$0x3FAA] =	sst s8  }
0x11: {  	[smem:$0x3FAB] =	sst s9;
	s0 =	simm.s32 @!p0 $0x0  }
0x12: {  	s1 =	sld [smem:$0x3F91];
	s0 =	simm.s32 @p0 $0x1  }
0x13: {  	[smem:$0x3FAC] =	sst s0;
	s0 =	simm.s32 @!p1 $0x0  }
0x14: {  	s2 =	sld [smem:$0x3F90];
	s0 =	simm.s32 @p1 $0x1  }
0x15: {  	[smem:$0x3FAD] =	sst s0;
	s0 =	simm.s32 @!p2 $0x0  }
0x16: {  	s3 =	sld [smem:$0x3FDB];
	s0 =	simm.s32 @p2 $0x1  }
0x17: {  	s4 =	simm.s32 $0x1BF5;
	[smem:$0x3FAF] =	sst s0  }
0x18: {  	s0 =	sld [smem:$0x3F92];
	_ =	swait.ge [sflag:s4], $0x0  }
0x19: {  	s7 =	sld [smem:$0x3F93]  }
0x1a: {  	s8 =	sadd.s32 $0xFFFFE003, lr  }
0x1b: {  	s9 =	sadd.s32 $0xFFFFFEF7, lr;
	s5 =	simm.s32 $0xFFFFFFFF;
	p2 =	slt.u32 s8, $0xFFFFF086  }
0x1c: {  	p1 =	slt.u32 s9, $0xF7A;
	s5 =	simm.s32 @!p2 $0x0  }
0x1d: {  	s5 =	simm.s32 @p1 $0x1;
	p0 =	seq.s32 s7, s2  }
0x1e: {  	s7 =	smul.u32 @!p0 $0xF7A, s2;
	p2 =	seq.s32 @!p0 s5, $0x0  }
0x1f: {  	s9 =	smul.u32 $0xF7A, s1;
	s8 =	simm.s32 @!p0 $0x1BF5;
	p2 =	por !p2, p0  }
0x20: {  	[sflag:s8] =	ssyncset.s32 @!p0 $0xFFFFF086;
	s6 =	sadd.s32 @!p0 s3, s7;
	s7 =	simm.s32 @!p0 $0x108  }
0x21: {  	s3 =	sadd.s32 s3, s9;
	s6 =	sadd.s32 @!p0 $0x88, s6;
	s7 =	simm.s32 @p2 $0x1082  }
0x22: {  	[simem:s7], [sflag:s8] =	dma.local @!p0 [hbm:s6], $0xF7A  }
0x23: {  	s9 =	sor.u32 $0xD0000000, s2;
	s6 =	simm.s32 $0x108;
	_ =	swait.ge @!p0 [sflag:s8], $0x0  }
0x24: {  	s3 =	sadd.s32 $0x88, s3;
	s6 =	simm.s32 @!p1 $0x1082;
	[sflag:s4] =	ssyncset.s32 $0xFFFFF086  }
0x25: {  	[simem:s6], [sflag:s4] =	dma.local [hbm:s3], $0xF7A  }
0x26: {  	[smem:$0x3F93] =	sst s1;
	(tag) =	ssettag s2;
	_ =	strace s9  }
0x27: {  	s1 =	sld [smem:$0x3FA3]  }
0x28: {  	s2 =	sld [smem:$0x3FA4]  }
0x29: {  	s4 =	sld [smem:$0x3FA6]  }
0x2a: {  	p0 =	seq.s32 s5, $0x0;
	s5 =	sld [smem:$0x3FA7]  }
0x2b: {  	s6 =	sld [smem:$0x3FA8]  }
0x2c: {  	s7 =	sld [smem:$0x3FA9]  }
0x2d: {  	s3 =	simm.s32 $0x108;
	s8 =	sld [smem:$0x3FAA]  }
0x2e: {  	s3 =	simm.s32 @!p0 $0x1082;
	s9 =	sld [smem:$0x3FAB]  }
0x2f: {  	lr =	sadd.s32 s0, s3;
	s0 =	sld [smem:$0x3FA2]  }
0x30: {  	s3 =	sld [smem:$0x3FA5]  }
0x31: {  	[smem:$0x3FAE] =	sst s10  }
0x32: {  	s10 =	sld [smem:$0x3FAC];
	_ =	sdelay $0x3  }
0x33: {  	p0 =	seq.s32 s10, $0x1;
	s10 =	sld [smem:$0x3FAE];
	_ =	sdelay $0x3  }
0x34: {  	[smem:$0x3FAE] =	sst s10  }
0x35: {  	s10 =	sld [smem:$0x3FAD];
	_ =	sdelay $0x3  }
0x36: {  	p1 =	seq.s32 s10, $0x1;
	s10 =	sld [smem:$0x3FAE];
	_ =	sdelay $0x3  }
0x37: {  	[smem:$0x3FAE] =	sst s10  }
0x38: {  	s10 =	sld [smem:$0x3FAF]  }
0x39: {  	_ = 	snop;
	(pc) =	sbr.ind lr, $3  }
0x3a: {  	_ = 	snop  }
0x3b: {  	_ = 	snop  }
0x3c: {  	p2 =	seq.s32 s10, $0x1;
	s10 =	sld [smem:$0x3FAE]  }
0x3d: {  	_ =	shalt  }
0x3e: {  	_ =	shalt  }
0x3f: {  	_ =	shalt  }
0x40: {  	_ =	shalt  }
0x41: {  	_ =	shalt  }
0x42: {  	_ =	shalt  }
0x43: {  	_ =	shalt  }
0x44: {  	_ =	shalt  }
0x45: {  	_ =	shalt  }
0x46: {  	_ =	shalt  }
0x47: {  	_ =	shalt  }
0x48: {  	_ =	shalt  }
0x49: {  	_ =	shalt  }
0x4a: {  	_ =	shalt  }
0x4b: {  	_ =	shalt  }
0x4c: {  	_ =	shalt  }
0x4d: {  	_ =	shalt  }
0x4e: {  	_ =	shalt  }
0x4f: {  	_ =	shalt  }
0x50: {  	_ =	shalt  }
0x51: {  	_ =	shalt  }
0x52: {  	_ =	shalt  }
0x53: {  	_ =	shalt  }
0x54: {  	_ =	shalt  }
0x55: {  	_ =	shalt  }
0x56: {  	_ =	shalt  }
0x57: {  	_ =	shalt  }
0x58: {  	_ =	shalt  }
0x59: {  	_ =	shalt  }
0x5a: {  	_ =	shalt  }
0x5b: {  	_ =	shalt  }
0x5c: {  	_ =	shalt  }
0x5d: {  	_ =	shalt  }
0x5e: {  	_ =	shalt  }
0x5f: {  	_ =	shalt  }
0x60: {  	_ =	shalt  }
0x61: {  	_ =	shalt  }
0x62: {  	_ =	shalt  }
0x63: {  	_ =	shalt  }
0x64: {  	_ =	shalt  }
0x65: {  	_ =	shalt  }
0x66: {  	_ =	shalt  }
0x67: {  	_ =	shalt  }
0x68: {  	_ =	shalt  }
0x69: {  	_ =	shalt  }
0x6a: {  	_ =	shalt  }
0x6b: {  	_ =	shalt  }
0x6c: {  	_ =	shalt  }
0x6d: {  	_ =	shalt  }
0x6e: {  	_ =	shalt  }
0x6f: {  	_ =	shalt  }
0x70: {  	_ =	shalt  }
0x71: {  	_ =	shalt  }
0x72: {  	_ =	shalt  }
0x73: {  	_ =	shalt  }
0x74: {  	_ =	shalt  }
0x75: {  	_ =	shalt  }
0x76: {  	_ =	shalt  }
0x77: {  	_ =	shalt  }
0x78: {  	_ =	shalt  }
0x79: {  	_ =	shalt  }
0x7a: {  	_ =	shalt  }
0x7b: {  	_ =	shalt  }
0x7c: {  	_ =	shalt  }
0x7d: {  	_ =	shalt  }
0x7e: {  	_ =	shalt  }
0x7f: {  	_ =	shalt  }
0x80: {  	_ =	shalt  }
0x81: {  	_ =	shalt  }
0x82: {  	_ =	shalt  }
0x83: {  	_ =	shalt  }
0x84: {  	_ =	shalt  }
0x85: {  	_ =	shalt  }
0x86: {  	_ =	shalt  }
0x87: {  	_ =	shalt  }
.Lfunc_end0:
.L_simem_size_0:
called_computation_lowered:
.L_overlay_start_0:
0x88: {  	s2 =	sld [smem:$0x3FD9]  }
0x89: {  	s3 =	sld [smem:$0x3FFE];
	_ =	sdelay $0x1  }
0x8a: {  	s1 =	srdreg.scid  }
0x8b: {  	s0 =	sand.u32 $0x1, s1  }
0x8c: {  	s17 =	sshll.u32 s0, $0xA;
	s2 =	sadd.s32 s3, s2  }
0x8d: {  	s2 =	sadd.s32 s2, s17  }
0x8e: {  	[smem:$0x3FBA] =	sst s2  }
0x8f: {  	_ = 	snop  }
0x90: {  	s2 =	sld [smem:$0x3FC9]  }
0x91: {  	s18 =	sld [smem:$0x3FC8]  }
0x92: {  	s4 =	sld [smem:$0x3FC5];
	(tm) =	ssettm $0x1  }
0x93: {  	s5 =	sld [smem:$0x3FFB];
	_ =	sdelay $0x3  }
0x94: {  	_ =	strace s5  }
0x95: {  	s5 =	sld [smem:$0x3FFC];
	_ =	sdelay $0x3  }
0x96: {  	_ =	strace s5  }
0x97: {  	s5 =	sld [smem:$0x3FFD];
	_ =	sdelay $0x3  }
0x98: {  	_ =	strace s5  }
0x99: {  	_ =	strace $0x8FFFFFFF  }
0x9a: {  	s19 =	sld [smem:$0x3FDB];
	_ =	sdelay $0x1  }
0x9b: {  	s6 =	simm.s32 $_scs_section_size  }
0x9c: {  	s7 =	simm.s32 $_size__tile_overlayer_lowered;
	s8 =	simm.s32 $_tile_overlayer_lowered  }
0x9d: {  	s22 =	simm.s32 $0x1BFF;
	s21 =	sshll.u32 s8, $0x1;
	s5 =	sadd.s32 s6, s19  }
0x9e: {  	s9 =	simm.s32 $0x0;
	s20 =	sshll.u32 s7, $0x1;
	s7 =	sadd.s32 s21, s5  }
0x9f: {  	[timem:s9], [sflag:s22] =	dma.local [hbm:s7], s20  }
0xa0: {  	_ =	swait.ge [sflag:s22], s20  }
0xa1: {  	s6 =	ssub.s32 $0x0, s20;
	[sflag:s22] =	ssyncset.done $0x0  }
0xa2: {  	[sflag:s22] =	ssyncadd.s32 s6;
	_ =	sdelay $0x1  }
0xa3: {  	s23 =	simm.s32 $0x1B8B  }
0xa4: {  	_ =	swait.ge [sflag:s23], $0x1  }
0xa5: {  	[sflag:s23] =	ssyncset.done $0x0  }
0xa6: {  	s25 =	simm.s32 $0x1B8E;
	s24 =	sld [smem:$0x3FFE];
	[sflag:s23] =	ssyncadd.s32 $0xFFFFFFFF  }
0xa7: {  	s26 =	simm.s32 $execute0_lowered;
	[smem:$0x3FD2] =	sst s25  }
0xa8: {  	s7 =	sshll.u32 s26, $0x1;
	_ =	strace $0x80000046;
	[dreg:$0x1] =	wrdreg $0xFFFFFFFF  }
0xa9: {  	s28 =	simm.s32 $_size_execute0_lowered;
	s5 =	sadd.s32 s5, s7;
	[dreg:$0x0] =	wrdreg $0x0  }
0xaa: {  	s7 =	sshll.u32 s28, $0x1;
	[dreg:$0x2] =	wrdreg s5  }
0xab: {  	[dreg:$0x3] =	wrdreg s7  }
0xac: {  	[dreg:$0x4] =	wrdreg $0xC0  }
0xad: {  	_ =	task [dreg:s9], $0x5FFFF  }
0xae: {  	[dreg:$0x1] =	wrdreg $0xFFFFFFFF  }
0xaf: {  	[dreg:$0x0] =	wrdreg $0x60  }
0xb0: {  	[dreg:$0x2] =	wrdreg s2  }
0xb1: {  	[dreg:$0x3] =	wrdreg s18  }
0xb2: {  	[dreg:$0x4] =	wrdreg s24  }
0xb3: {  	[dreg:$0x5] =	wrdreg s4  }
0xb4: {  	[dreg:$0x6] =	wrdreg $0x9  }
0xb5: {  	_ =	task.clear_ibuf [dreg:s9], $0x7FFFF;
	_ =	strace $0x90000046  }
0xb6: {  	s29 =	simm.s32 $0x9;
	_ =	strace $0x80000048  }
0xb7: {  	_ =	swait.ge [sflag:s29], $0x1  }
0xb8: {  	[sflag:s29] =	ssyncadd.s32 $0xFFFFFFFF  }
0xb9: {  	_ =	strace $0x90000048  }
0xba: {  	_ =	sfence  }
0xbb: {  	s30 =	sld [smem:$0x0];
	_ =	sdelay $0x2  }
0xbc: {  	s31 =	sshll.u32 s1, $0xD;
	s1 =	sshrl.u32 s1, $0x2  }
0xbd: {  	s3 =	sand.u32 $0x4000, s31;
	s1 =	sadd.s32 s1, s30  }
0xbe: {  	s0 =	sor.u32 s3, s0;
	s1 =	sshll.u32 s1, $0x11  }
0xbf: {  	s0 =	sor.u32 s1, s0  }
0xc0: {  	s0 =	sadd.s32 $0x8F2B, s0  }
0xc1: {  	[sflag:s0] =	ssyncadd.remote.s32 $0x1  }
0xc2: {  	_ =	sfence.sel $0xFFFF  }
0xc3: {  	[dreg:$0x0] =	wrdreg $0xFFFFFFFF;
	(pc) =	sbr.abs _section_cstart, $3  }
0xc4: {  	[dreg:$0x1] =	wrdreg $0xFFFFFFFF  }
0xc5: {  	_ =	task.clear_ibuf [dreg:s9], $0x2FFFF;
	_ =	strace $0x9FFFFFFF  }
0xc6: {  	(tm) =	ssettm $0x7FFFFFFF  }
0xc7: {  	_ =	shalt  }
tec
execute0_lowered:
.L_overlay_start_1:
0x0: {  	(tag) =	ssettag $0x1  }
0x1: {  	s4 =	rddreg [dreg:$0x0]  }
0x2: {  	s6 =	rddreg [dreg:$0x1];
	s1 =	srdreg.scid  }
0x3: {  	s14 =	rddreg [dreg:$0x2];
	s0 =	stileid.u32;
	s15 =	sand.u32 $0x1, s1  }
0x4: {  	s3 =	rddreg [dreg:$0x3];
	s5 =	sshll.u32 s0, $0x8;
	s7 =	sshll.u32 s15, $0x7  }
0x5: {  	s2 =	simm.s32 $0x0;
	s1 =	rddreg [dreg:$0x4];
	s16 =	sor.u32 s7, s5  }
0x6: {  	[smem:$0x7FF] =	sst s2;
	s7 =	sshrl.u32 s16, $0x3  }
0x7: {  	_ =	strace $0x80000047;
	s5 =	sadd.s32 s4, s7;
	s4 =	simm.s32 $0x2  }
0x8: {  	[tilespmem:s2], [sflag:$0x2] =	stream.linear.gather [hbm4b:s5+s2], $0x80, $0x38;
	[tilespmem:$0x10100] =	vst v63  }
0x9: {  	_ =	swait.ge [sflag:s4], $0x80  }
0xa: {  	[sflag:s4] =	ssyncset.done $0x0  }
0xb: {  	s6 =	sadd.s32 s6, s7;
	s7 =	simm.s32 $0x80;
	[sflag:s4] =	ssyncadd.s32 $0xFFFFFF80  }
0xc: {  	[tilespmem:s7], [sflag:$0x2] =	stream.linear.gather [hbm4b:s6+s2], $0x80, $0x38;
	[tilespmem:$0x10100] =	vst v63  }
0xd: {  	_ =	swait.ge [sflag:s4], $0x80  }
0xe: {  	[sflag:s4] =	ssyncset.done $0x0  }
0xf: {  	[sflag:s4] =	ssyncadd.s32 $0xFFFFFF80  }
0x10: {  	v0 =	vld [tilespmem:$0xF0]  }
0x11: {  	v1 =	vld [tilespmem:$0xB0]  }
0x12: {  	v2 =	vld [tilespmem:$0xD0]  }
0x13: {  	v3 =	vld [tilespmem:$0xE0]  }
0x14: {  	v4 =	vld [tilespmem:$0xA0]  }
0x15: {  	v5 =	vld [tilespmem:$0x90];
	v0 =	vadd.s32 $0x3E8, v0  }
0x16: {  	v6 =	vld [tilespmem:$0xC0];
	v1 =	vadd.s32 $0x3E8, v1;
	[tilespmem:$0xF0] =	vst v0  }
0x17: {  	v58 =	vld [tilespmem:$0x80];
	v59 =	vadd.s32 $0x3E8, v2;
	[tilespmem:$0xB0] =	vst v1  }
0x18: {  	v60 =	vadd.s32 $0x3E8, v3;
	[tilespmem:$0xD0] =	vst v59  }
0x19: {  	v61 =	vadd.s32 $0x3E8, v4;
	[tilespmem:$0xE0] =	vst v60  }
0x1a: {  	v62 =	vadd.s32 $0x3E8, v5;
	[tilespmem:$0xA0] =	vst v61  }
0x1b: {  	v63 =	vadd.s32 $0x3E8, v6;
	[tilespmem:$0x90] =	vst v62  }
0x1c: {  	v0 =	vadd.s32 $0x3E8, v58;
	[tilespmem:$0xC0] =	vst v63  }
0x1d: {  	s9 =	simm.s32 $0x100;
	s8 =	sadd.s32 $0x2000, s14;
	[tilespmem:$0x80] =	vst v0  }
0x1e: {  	[tilespmem:s9], [sflag:$0x1] =	stream.indirect.gather [hbm4b:s8+s7], $0x80, s2, s7, $0xb8;
	[tilespmem:$0x10100] =	vst v63  }
0x1f: {  	s11 =	simm.s32 $0x4100  }
0x20: {  	[tilespmem:s11], [sflag:$0x1] =	stream.indirect.gather [hbm4b:s8+s7], $0x80, s7, s7, $0xb8;
	[tilespmem:$0x10100] =	vst v63  }
0x21: {  	s12 =	simm.s32 $0x8100  }
0x22: {  	[tilespmem:s12], [sflag:$0x1] =	stream.indirect.gather [hbm4b:s3+s7], $0x80, s2, s7, $0xb8;
	[tilespmem:$0x10100] =	vst v63  }
0x23: {  	s10 =	simm.s32 $0xC100;
	s13 =	simm.s32 $0x1  }
0x24: {  	[tilespmem:s10], [sflag:$0x1] =	stream.indirect.gather [hbm4b:s3+s7], $0x80, s7, s7, $0xb8;
	[tilespmem:$0x10100] =	vst v63  }
0x25: {  	_ =	swait.ge [sflag:s13], $0x4000  }
0x26: {  	[sflag:s13] =	ssyncset.done $0x0  }
0x27: {  	[sflag:s13] =	ssyncadd.s32 $0xFFFFC000  }
0x28: {  	_ =	swait.ge [sflag:s13], $0x4000  }
0x29: {  	[sflag:s13] =	ssyncset.done $0x0  }
0x2a: {  	[sflag:s13] =	ssyncadd.s32 $0xFFFFC000  }
0x2b: {  	_ =	swait.ge [sflag:s13], $0x4000  }
0x2c: {  	[sflag:s13] =	ssyncset.done $0x0  }
0x2d: {  	[sflag:s13] =	ssyncadd.s32 $0xFFFFC000  }
0x2e: {  	s15 =	ssub.s32 $0x2, s15;
	s16 =	sshll.u32 s16, $0x4;
	_ =	swait.ge [sflag:s13], $0x4000  }
0x2f: {  	s17 =	sshrl.u32 s15, $0x1;
	s16 =	sadd.s32 s16, s14;
	[sflag:s13] =	ssyncset.done $0x0  }
0x30: {  	s17 =	ssub.s32 s15, s17;
	s14 =	sadd.s32 $0x9E00, s16;
	[sflag:s13] =	ssyncadd.s32 $0xFFFFC000  }
0x31: {  	[hbm4b:s14+s2] =	stream.linear.scatter [tilespmem:s9], [sflag:$0x2], $0x4000, $0x38;
	[tilespmem:$0x10100] =	vst v63  }
0x32: {  	s18 =	smax.u32 s17, $0x1;
	_ =	swait.ge [sflag:s4], $0x4000  }
0x33: {  	p0 =	sne.s32 s18, $0x1;
	[sflag:s4] =	ssyncset.done $0x0  }
.Ltmp0:
0x34: {  	s15 =	sadd.s32 $0x19E00, s16;
	[sflag:s4] =	ssyncadd.s32 $0xFFFFC000;
	(pc) =	sbr.rel @!p0 .LBB2_2-.Ltmp0, $4  }
0x35: {  	[hbm4b:s15+s2] =	stream.linear.scatter [tilespmem:s11], [sflag:$0x2], $0x4000, $0x38;
	[tilespmem:$0x10100] =	vst v63  }
0x36: {  	_ =	swait.ge [sflag:s4], $0x4000  }
0x37: {  	s17 =	sadd.s32 $0x29E00, s16;
	[sflag:s4] =	ssyncset.done $0x0  }
0x38: {  	s16 =	sadd.s32 $0x39E00, s16;
	s18 =	sadd.s32 $0xFFFFFFFF, s18;
	[sflag:s4] =	ssyncadd.s32 $0xFFFFC000  }
.LBB2_1:
0x39: {  	[hbm4b:s17+s2] =	stream.linear.scatter [tilespmem:s12], [sflag:$0x2], $0x4000, $0x38;
	[tilespmem:$0x10100] =	vst v63  }
0x3a: {  	p0 =	sne.s32 s18, $0x1;
	s18 =	sadd.s32 $0xFFFFFFFF, s18;
	_ =	swait.ge [sflag:s4], $0x4000  }
0x3b: {  	[sflag:s4] =	ssyncset.done $0x0  }
0x3c: {  	[sflag:s4] =	ssyncadd.s32 $0xFFFFC000  }
0x3d: {  	[hbm4b:s16+s2] =	stream.linear.scatter [tilespmem:s10], [sflag:$0x2], $0x4000, $0x38;
	[tilespmem:$0x10100] =	vst v63  }
0x3e: {  	_ =	swait.ge [sflag:s4], $0x4000  }
0x3f: {  	[sflag:s4] =	ssyncset.done $0x0  }
0x40: {  	[sflag:s4] =	ssyncadd.s32 $0xFFFFC000  }
0x41: {  	[tilespmem:s2], [sflag:$0x2] =	stream.linear.gather [hbm4b:s5+s2], $0x80, $0x38;
	[tilespmem:$0x10100] =	vst v63  }
0x42: {  	_ =	swait.ge [sflag:s4], $0x80  }
0x43: {  	[sflag:s4] =	ssyncset.done $0x0  }
0x44: {  	[sflag:s4] =	ssyncadd.s32 $0xFFFFFF80  }
0x45: {  	[tilespmem:s7], [sflag:$0x2] =	stream.linear.gather [hbm4b:s6+s2], $0x80, $0x38;
	[tilespmem:$0x10100] =	vst v63  }
0x46: {  	_ =	swait.ge [sflag:s4], $0x80  }
0x47: {  	[sflag:s4] =	ssyncset.done $0x0  }
0x48: {  	[sflag:s4] =	ssyncadd.s32 $0xFFFFFF80  }
0x49: {  	v0 =	vld [tilespmem:$0xF0]  }
0x4a: {  	v1 =	vld [tilespmem:$0xB0]  }
0x4b: {  	v2 =	vld [tilespmem:$0xD0]  }
0x4c: {  	v3 =	vld [tilespmem:$0xE0]  }
0x4d: {  	v4 =	vld [tilespmem:$0xA0]  }
0x4e: {  	v5 =	vld [tilespmem:$0x90];
	v0 =	vadd.s32 $0x3E8, v0  }
0x4f: {  	v1 =	vadd.s32 $0x3E8, v1;
	v6 =	vld [tilespmem:$0xC0];
	[tilespmem:$0xF0] =	vst v0  }
0x50: {  	v0 =	vld [tilespmem:$0x80];
	[tilespmem:$0xB0] =	vst v1;
	v1 =	vadd.s32 $0x3E8, v2  }
0x51: {  	[tilespmem:$0xD0] =	vst v1;
	v1 =	vadd.s32 $0x3E8, v3  }
0x52: {  	v2 =	vadd.s32 $0x3E8, v4;
	[tilespmem:$0xE0] =	vst v1  }
0x53: {  	v1 =	vadd.s32 $0x3E8, v5;
	[tilespmem:$0xA0] =	vst v2  }
0x54: {  	[tilespmem:$0x90] =	vst v1;
	v1 =	vadd.s32 $0x3E8, v6  }
0x55: {  	v0 =	vadd.s32 $0x3E8, v0;
	[tilespmem:$0xC0] =	vst v1  }
0x56: {  	[tilespmem:$0x80] =	vst v0  }
0x57: {  	[tilespmem:s9], [sflag:$0x1] =	stream.indirect.gather [hbm4b:s8+s7], $0x80, s2, s7, $0xb8;
	[tilespmem:$0x10100] =	vst v63  }
0x58: {  	_ = 	snop  }
0x59: {  	[tilespmem:s11], [sflag:$0x1] =	stream.indirect.gather [hbm4b:s8+s7], $0x80, s7, s7, $0xb8;
	[tilespmem:$0x10100] =	vst v63  }
0x5a: {  	_ = 	snop  }
0x5b: {  	[tilespmem:s12], [sflag:$0x1] =	stream.indirect.gather [hbm4b:s3+s7], $0x80, s2, s7, $0xb8;
	[tilespmem:$0x10100] =	vst v63  }
0x5c: {  	_ = 	snop  }
0x5d: {  	[tilespmem:s10], [sflag:$0x1] =	stream.indirect.gather [hbm4b:s3+s7], $0x80, s7, s7, $0xb8;
	[tilespmem:$0x10100] =	vst v63  }
0x5e: {  	_ =	swait.ge [sflag:s13], $0x4000  }
0x5f: {  	[sflag:s13] =	ssyncset.done $0x0  }
0x60: {  	[sflag:s13] =	ssyncadd.s32 $0xFFFFC000  }
0x61: {  	_ =	swait.ge [sflag:s13], $0x4000  }
0x62: {  	[sflag:s13] =	ssyncset.done $0x0  }
0x63: {  	[sflag:s13] =	ssyncadd.s32 $0xFFFFC000  }
0x64: {  	_ =	swait.ge [sflag:s13], $0x4000  }
0x65: {  	[sflag:s13] =	ssyncset.done $0x0  }
0x66: {  	[sflag:s13] =	ssyncadd.s32 $0xFFFFC000  }
0x67: {  	_ =	swait.ge [sflag:s13], $0x4000  }
0x68: {  	[sflag:s13] =	ssyncset.done $0x0  }
0x69: {  	[sflag:s13] =	ssyncadd.s32 $0xFFFFC000  }
0x6a: {  	[hbm4b:s14+s2] =	stream.linear.scatter [tilespmem:s9], [sflag:$0x2], $0x4000, $0x38;
	[tilespmem:$0x10100] =	vst v63  }
0x6b: {  	_ =	swait.ge [sflag:s4], $0x4000  }
0x6c: {  	[sflag:s4] =	ssyncset.done $0x0  }
.Ltmp1:
0x6d: {  	[sflag:s4] =	ssyncadd.s32 $0xFFFFC000;
	(pc) =	sbr.rel @p0 .LBB2_1-.Ltmp1, $4  }
0x6e: {  	[hbm4b:s15+s2] =	stream.linear.scatter [tilespmem:s11], [sflag:$0x2], $0x4000, $0x38;
	[tilespmem:$0x10100] =	vst v63  }
0x6f: {  	_ =	swait.ge [sflag:s4], $0x4000  }
0x70: {  	[sflag:s4] =	ssyncset.done $0x0  }
0x71: {  	[sflag:s4] =	ssyncadd.s32 $0xFFFFC000  }
.LBB2_2:
0x72: {  	[hbm4b:s17+s2] =	stream.linear.scatter [tilespmem:s12], [sflag:$0x2], $0x4000, $0x38;
	[tilespmem:$0x10100] =	vst v63  }
0x73: {  	_ =	swait.ge [sflag:s4], $0x4000  }
0x74: {  	[sflag:s4] =	ssyncset.done $0x0  }
0x75: {  	[sflag:s4] =	ssyncadd.s32 $0xFFFFC000  }
0x76: {  	[hbm4b:s16+s2] =	stream.linear.scatter [tilespmem:s10], [sflag:$0x2], $0x4000, $0x38;
	[tilespmem:$0x10100] =	vst v63  }
0x77: {  	_ =	swait.ge [sflag:s4], $0x4000  }
0x78: {  	[sflag:s4] =	ssyncset.done $0x0  }
0x79: {  	[sflag:s4] =	ssyncadd.s32 $0xFFFFC000  }
0x7a: {  	_ =	sfence.sel $0x180000  }
0x7b: {  	[bflag:$0x0] =	sbarrier.arrive $0xFFFF  }
0x7c: {  	p0 =	sne.s32 s0, $0x0;
	_ =	strace $0x90000047  }
0x7d: {  	s0 =	sadd.s32 @!p0 $0x100000, s1;
	[bflag:$0x2] =	sbarrier.arrive $0xFFFF  }
0x7e: {  	[sflag:s0] =	ssyncadd.tile.s32 @!p0 $0x1;
	_ =	shalt  }
.Lfunc_end2:
_tile_overlayer_lowered:
.L_overlay_start_2:
0x7f: {  	(tag) =	ssettag $0x2  }
0x80: {  	s0 =	rddreg [dreg:$0x0];
	s2 =	stileid.u32  }
0x81: {  	s1 =	rddreg [dreg:$0x1];
	p0 =	sne.s32 s2, $0x0  }
0x82: {  	s3 =	rddreg [dreg:$0x2];
	[bflag:$0x3] =	sbarrier.arrive $0xFFFF;
	s2 =	simm.s32 @!p0 $0x1C02  }
0x83: {  	[timem:s3], [sflag:s2] =	dma.local @!p0 [hbm:s0], s1  }
0x84: {  	s0 =	simm.s32 @!p0 $0x2  }
0x85: {  	_ =	swait.ge @!p0 [sflag:s0], s1  }
0x86: {  	s1 =	ssub.s32 @!p0 $0x0, s1;
	[sflag:s0] =	ssyncset.done @!p0 $0x0  }
0x87: {  	[sflag:s0] =	ssyncadd.s32 @!p0 s1  }
0x88: {  	[bflag:$0x3] =	sbarrier.arrive $0xFFFF  }
0x89: {  	_ =	shalt  }

</sc_bundles>
